<compile_context>
chip_gen: v7x
topology: tpu7x:2x2x1
jax: 0.10.2.dev20260603
libtpu: 0.0.44.dev20260713+nightly
codegen_flags: <defaults>
</compile_context>

<pallas_src>
import functools

import jax
import jax.numpy as jnp
from jax import lax
from jax.experimental import pallas as pl
from jax.experimental.pallas import tpu as pltpu

NUM_NODES = 1000000
EMBED_SIZE = 64
BATCH = 16384

_K = 32768
_C = -(-NUM_NODES // _K)


def _gather_kernel(sids_ref, pos_ref, starts_ref, tblk_ref, out_ref, rows_ref):
    c = pl.program_id(0)
    rows_ref[...] = tblk_ref[...].T

    def body(k, _):
        local = sids_ref[k] - c * _K
        p = pos_ref[k]
        out_ref[pl.ds(p, 1), :] = rows_ref[pl.ds(local, 1), :]
        return _

    lax.fori_loop(starts_ref[c], starts_ref[c + 1], body, 0)


@jax.jit
def _gather(node_embed_weight, node_ids):
    tableT = node_embed_weight.T
    order = jnp.argsort(node_ids)
    sids = jnp.take(node_ids, order)
    bounds = jnp.arange(0, (_C + 1) * _K, _K, dtype=jnp.int32)
    starts = jnp.sum(sids[None, :] < bounds[:, None], axis=1, dtype=jnp.int32)
    grid_spec = pltpu.PrefetchScalarGridSpec(
        num_scalar_prefetch=3,
        grid=(_C,),
        in_specs=[pl.BlockSpec((EMBED_SIZE, _K), lambda c, *_: (0, c))],
        out_specs=pl.BlockSpec((BATCH, EMBED_SIZE), lambda c, *_: (0, 0)),
        scratch_shapes=[pltpu.VMEM((_K, EMBED_SIZE), jnp.float32)],
    )
    return pl.pallas_call(
        _gather_kernel,
        grid_spec=grid_spec,
        out_shape=jax.ShapeDtypeStruct((BATCH, EMBED_SIZE), jnp.float32),
        compiler_params=pltpu.CompilerParams(
            dimension_semantics=("arbitrary",),
        ),
    )(sids, order.astype(jnp.int32), starts, tableT)


def kernel(node_ids, node_tids, type_ids, node_embed_weight):
    del node_tids, type_ids
    return _gather(node_embed_weight, node_ids)

# --- scband reference (transcript-rebuilt; emitter-appended) ---
"""Pipeline reference for scband-rel-graph-embed-layer-377957122418 (READ-ONLY COPY).

The authoritative reference and input builder live on the scoring server;
editing this copy changes nothing except your own understanding.
"""

import jax, jax.numpy as jnp
import numpy as np

NUM_NODES = 1000000
EMBED_SIZE = 64
BATCH = 16384
NUM_OF_NTYPE = 1


def setup_inputs(seed: int = 0) -> dict:
    key = jax.random.key(seed)
    k1, k2 = jax.random.split(key)
    node_ids = jax.random.randint(k1, (BATCH,), 0, NUM_NODES, dtype=jnp.int32)
    node_tids = jnp.zeros((BATCH,), dtype=jnp.int32)
    type_ids = jnp.zeros((BATCH,), dtype=jnp.int32)
    # learned parameter: node_embeds table, init uniform(-1, 1) like the torch module
    node_embed_weight = jax.random.uniform(k2, (NUM_NODES, EMBED_SIZE), minval=-1.0, maxval=1.0, dtype=jnp.float32)
    return {
        "node_ids": node_ids,
        "node_tids": node_tids,
        "type_ids": type_ids,
        "node_embed_weight": node_embed_weight,
    }


def reference(node_ids, node_tids, type_ids, node_embed_weight):
    # Faithful translation of RelGraphEmbedLayer.forward with input_size=[None]
    # for every ntype: all node types fall into the `features[ntype] is None`
    # branch, i.e. a masked embedding-table gather.
    embeds = jnp.zeros((node_ids.shape[0], node_embed_weight.shape[1]), dtype=jnp.float32)
    for ntype in range(NUM_OF_NTYPE):
        loc = node_tids == ntype
        vals = jnp.take(node_embed_weight, node_ids, axis=0)
        embeds = jnp.where(loc[:, None], vals, embeds)
    return embeds

if __name__ == "__main__":
    import jax
    _d = setup_inputs()
    print(jax.jit(kernel)(*tuple(_d.values())))

</pallas_src>

<mosaic_0001>
module attributes {stable_mosaic.version = 14 : i64} {
  func.func @_gather_kernel(%arg0: i32, %arg1: memref<16384xi32, #tpu.memory_space<smem>>, %arg2: memref<16384xi32, #tpu.memory_space<smem>>, %arg3: memref<32xi32, #tpu.memory_space<smem>>, %arg4: memref<64x32768xf32, #tpu.memory_space<vmem>>, %arg5: memref<16384x64xf32, #tpu.memory_space<vmem>>, %arg6: memref<32768x64xf32, #tpu.memory_space<vmem>>) attributes {dimension_semantics = [#tpu.dimension_semantics<arbitrary>], iteration_bounds = array<i64: 31>, scalar_prefetch = 3 : i64, scratch_operands = 1 : i64, tpu.core_type = #tpu.core_type<tc>, window_params = [{transform_indices = @transform_0, window_bounds = array<i64: 64, 32768>}, {pipeline_mode = #tpu.pipeline_mode<synchronous>, transform_indices = @transform_1, window_bounds = array<i64: 16384, 64>}]} {
    %get3A = arith.constant 0 : index
    %get3A_0 = arith.constant 0 : index
    %get3A_1 = vector.load %arg4[%get3A, %get3A_0] : memref<64x32768xf32, #tpu.memory_space<vmem>>, vector<64x32768xf32>
    %transpose3A = tpu.transpose %get3A_1, [1, 0] : vector<64x32768xf32> -> vector<32768x64xf32>
    %swap3A = arith.constant 0 : index
    %swap3A_2 = arith.constant 0 : index
    %swap3A_3 = vector.load %arg6[%swap3A, %swap3A_2] : memref<32768x64xf32, #tpu.memory_space<vmem>>, vector<32768x64xf32>
    tpu.vector_store %arg6[%swap3A, %swap3A_2], %transpose3A {strides = array<i32>} : memref<32768x64xf32, #tpu.memory_space<vmem>>, vector<32768x64xf32>,
    %get3A_4 = arith.index_cast %arg0 : i32 to index
    %get3A_5 = memref.load %arg3[%get3A_4] : memref<32xi32, #tpu.memory_space<smem>>
    %add3A = arith.constant 1 : i32
    %add3A_6 = arith.addi %arg0, %add3A : i32
    %get3A_7 = arith.index_cast %add3A_6 : i32 to index
    %get3A_8 = memref.load %arg3[%get3A_7] : memref<32xi32, #tpu.memory_space<smem>>
    %while3A = arith.constant 0 : i32
    %while3A_9 = arith.subi %get3A_8, %get3A_5 : i32
    %while3A_10 = arith.addi %get3A_5, %while3A_9 : i32
    %while3A_11 = arith.constant 1 : i32
    %while3A_12 = arith.divsi %while3A_9, %while3A_11 : i32
    %while3A_13 = arith.muli %while3A_12, %while3A_11 : i32
    %while3A_14 = arith.addi %get3A_5, %while3A_13 : i32
    %while3A_15 = arith.constant 1 : i32
    scf.for %while3A_17 = %get3A_5 to %while3A_14 step %while3A_15  : i32 {
      %get3A_18 = arith.index_cast %while3A_17 : i32 to index
      %get3A_19 = memref.load %arg1[%get3A_18] : memref<16384xi32, #tpu.memory_space<smem>>
      %mul3A = arith.constant 32768 : i32
      %mul3A_20 = arith.muli %arg0, %mul3A : i32
      %sub3A = arith.subi %get3A_19, %mul3A_20 : i32
      %get3A_21 = arith.index_cast %while3A_17 : i32 to index
      %get3A_22 = memref.load %arg2[%get3A_21] : memref<16384xi32, #tpu.memory_space<smem>>
      %get3A_23 = arith.index_cast %sub3A : i32 to index
      %get3A_24 = arith.constant 0 : index
      %get3A_25 = vector.load %arg6[%get3A_23, %get3A_24] : memref<32768x64xf32, #tpu.memory_space<vmem>>, vector<1x64xf32>
      %swap3A_26 = arith.index_cast %get3A_22 : i32 to index
      %swap3A_27 = arith.constant 0 : index
      %swap3A_28 = vector.load %arg5[%swap3A_26, %swap3A_27] : memref<16384x64xf32, #tpu.memory_space<vmem>>, vector<1x64xf32>
      tpu.vector_store %arg5[%swap3A_26, %swap3A_27], %get3A_25 {strides = array<i32>} : memref<16384x64xf32, #tpu.memory_space<vmem>>, vector<1x64xf32>,
    }
    %while3A_16 = arith.constant 1 : i32
    scf.for %while3A_17 = %while3A_14 to %while3A_10 step %while3A_16  : i32 {
      %get3A_18 = arith.index_cast %while3A_17 : i32 to index
      %get3A_19 = memref.load %arg1[%get3A_18] : memref<16384xi32, #tpu.memory_space<smem>>
      %mul3A = arith.constant 32768 : i32
      %mul3A_20 = arith.muli %arg0, %mul3A : i32
      %sub3A = arith.subi %get3A_19, %mul3A_20 : i32
      %get3A_21 = arith.index_cast %while3A_17 : i32 to index
      %get3A_22 = memref.load %arg2[%get3A_21] : memref<16384xi32, #tpu.memory_space<smem>>
      %get3A_23 = arith.index_cast %sub3A : i32 to index
      %get3A_24 = arith.constant 0 : index
      %get3A_25 = vector.load %arg6[%get3A_23, %get3A_24] : memref<32768x64xf32, #tpu.memory_space<vmem>>, vector<1x64xf32>
      %swap3A_26 = arith.index_cast %get3A_22 : i32 to index
      %swap3A_27 = arith.constant 0 : index
      %swap3A_28 = vector.load %arg5[%swap3A_26, %swap3A_27] : memref<16384x64xf32, #tpu.memory_space<vmem>>, vector<1x64xf32>
      tpu.vector_store %arg5[%swap3A_26, %swap3A_27], %get3A_25 {strides = array<i32>} : memref<16384x64xf32, #tpu.memory_space<vmem>>, vector<1x64xf32>,
    }
    return
  }
  func.func @transform_0(%arg0: i32, %arg1: memref<16384xi32, #tpu.memory_space<smem>>, %arg2: memref<16384xi32, #tpu.memory_space<smem>>, %arg3: memref<32xi32, #tpu.memory_space<smem>>) -> (i32, i32) {
    %c0_i32 = arith.constant 0 : i32
    %c0_i32_0 = arith.constant 0 : i32
    return %c0_i32, %arg0 : i32, i32
  }
  func.func @transform_1(%arg0: i32, %arg1: memref<16384xi32, #tpu.memory_space<smem>>, %arg2: memref<16384xi32, #tpu.memory_space<smem>>, %arg3: memref<32xi32, #tpu.memory_space<smem>>) -> (i32, i32) {
    %c0_i32 = arith.constant 0 : i32
    %c0_i32_0 = arith.constant 0 : i32
    %c0_i32_1 = arith.constant 0 : i32
    return %c0_i32, %c0_i32_0 : i32, i32
  }
}

</mosaic_0001>

<sc_bundles>
// kernel: gather_offload_async_start
scs
__scs_entry_jumppad:
0x0: {  	(pc) =	sbr.rel $0x88, $3  }
0x1: {  	(tag) =	ssettag $0x0;
	lr =	simm.s32 $0x1  }
0x2: {  	[smem:$0x3F9F] =	sst lr;
	_ =	strace $0xD0000000  }
0x3: {  	_ = 	snop  }
0x4: {  	_ = 	snop  }
0x5: {  	_ = 	snop  }
0x6: {  	_ = 	snop  }
0x7: {  	_ = 	snop  }
__scs_overlays_trampoline_lowered:
0x8: {  	[smem:$0x3FAE] =	sst s0  }
0x9: {  	[smem:$0x3FAF] =	sst s1  }
0xa: {  	[smem:$0x3FB0] =	sst s2  }
0xb: {  	[smem:$0x3FB1] =	sst s3  }
0xc: {  	[smem:$0x3FB2] =	sst s4  }
0xd: {  	[smem:$0x3FB3] =	sst s5  }
0xe: {  	[smem:$0x3FB4] =	sst s6  }
0xf: {  	[smem:$0x3FB5] =	sst s7  }
0x10: {  	[smem:$0x3FB6] =	sst s8  }
0x11: {  	[smem:$0x3FB7] =	sst s9;
	s0 =	simm.s32 @!p0 $0x0  }
0x12: {  	s1 =	sld [smem:$0x3F9D];
	s0 =	simm.s32 @p0 $0x1  }
0x13: {  	[smem:$0x3FB8] =	sst s0;
	s0 =	simm.s32 @!p1 $0x0  }
0x14: {  	s2 =	sld [smem:$0x3F9C];
	s0 =	simm.s32 @p1 $0x1  }
0x15: {  	[smem:$0x3FB9] =	sst s0;
	s0 =	simm.s32 @!p2 $0x0  }
0x16: {  	s3 =	sld [smem:$0x3FDB];
	s0 =	simm.s32 @p2 $0x1  }
0x17: {  	s4 =	simm.s32 $0x1BF5;
	[smem:$0x3FBB] =	sst s0  }
0x18: {  	s0 =	sld [smem:$0x3F9E];
	_ =	swait.ge [sflag:s4], $0x0  }
0x19: {  	s7 =	sld [smem:$0x3F9F]  }
0x1a: {  	s8 =	sadd.s32 $0xFFFFE003, lr  }
0x1b: {  	s9 =	sadd.s32 $0xFFFFFEF7, lr;
	s5 =	simm.s32 $0xFFFFFFFF;
	p2 =	slt.u32 s8, $0xFFFFF086  }
0x1c: {  	p1 =	slt.u32 s9, $0xF7A;
	s5 =	simm.s32 @!p2 $0x0  }
0x1d: {  	s5 =	simm.s32 @p1 $0x1;
	p0 =	seq.s32 s7, s2  }
0x1e: {  	s7 =	smul.u32 @!p0 $0xF7A, s2;
	p2 =	seq.s32 @!p0 s5, $0x0  }
0x1f: {  	s9 =	smul.u32 $0xF7A, s1;
	s8 =	simm.s32 @!p0 $0x1BF5;
	p2 =	por !p2, p0  }
0x20: {  	[sflag:s8] =	ssyncset.s32 @!p0 $0xFFFFF086;
	s6 =	sadd.s32 @!p0 s3, s7;
	s7 =	simm.s32 @!p0 $0x108  }
0x21: {  	s3 =	sadd.s32 s3, s9;
	s6 =	sadd.s32 @!p0 $0x88, s6;
	s7 =	simm.s32 @p2 $0x1082  }
0x22: {  	[simem:s7], [sflag:s8] =	dma.local @!p0 [hbm:s6], $0xF7A  }
0x23: {  	s9 =	sor.u32 $0xD0000000, s2;
	s6 =	simm.s32 $0x108;
	_ =	swait.ge @!p0 [sflag:s8], $0x0  }
0x24: {  	s3 =	sadd.s32 $0x88, s3;
	s6 =	simm.s32 @!p1 $0x1082;
	[sflag:s4] =	ssyncset.s32 $0xFFFFF086  }
0x25: {  	[simem:s6], [sflag:s4] =	dma.local [hbm:s3], $0xF7A  }
0x26: {  	[smem:$0x3F9F] =	sst s1;
	(tag) =	ssettag s2;
	_ =	strace s9  }
0x27: {  	s1 =	sld [smem:$0x3FAF]  }
0x28: {  	s2 =	sld [smem:$0x3FB0]  }
0x29: {  	s4 =	sld [smem:$0x3FB2]  }
0x2a: {  	p0 =	seq.s32 s5, $0x0;
	s5 =	sld [smem:$0x3FB3]  }
0x2b: {  	s6 =	sld [smem:$0x3FB4]  }
0x2c: {  	s7 =	sld [smem:$0x3FB5]  }
0x2d: {  	s3 =	simm.s32 $0x108;
	s8 =	sld [smem:$0x3FB6]  }
0x2e: {  	s3 =	simm.s32 @!p0 $0x1082;
	s9 =	sld [smem:$0x3FB7]  }
0x2f: {  	lr =	sadd.s32 s0, s3;
	s0 =	sld [smem:$0x3FAE]  }
0x30: {  	s3 =	sld [smem:$0x3FB1]  }
0x31: {  	[smem:$0x3FBA] =	sst s10  }
0x32: {  	s10 =	sld [smem:$0x3FB8];
	_ =	sdelay $0x3  }
0x33: {  	p0 =	seq.s32 s10, $0x1;
	s10 =	sld [smem:$0x3FBA];
	_ =	sdelay $0x3  }
0x34: {  	[smem:$0x3FBA] =	sst s10  }
0x35: {  	s10 =	sld [smem:$0x3FB9];
	_ =	sdelay $0x3  }
0x36: {  	p1 =	seq.s32 s10, $0x1;
	s10 =	sld [smem:$0x3FBA];
	_ =	sdelay $0x3  }
0x37: {  	[smem:$0x3FBA] =	sst s10  }
0x38: {  	s10 =	sld [smem:$0x3FBB]  }
0x39: {  	_ = 	snop;
	(pc) =	sbr.ind lr, $3  }
0x3a: {  	_ = 	snop  }
0x3b: {  	_ = 	snop  }
0x3c: {  	p2 =	seq.s32 s10, $0x1;
	s10 =	sld [smem:$0x3FBA]  }
0x3d: {  	_ =	shalt  }
0x3e: {  	_ =	shalt  }
0x3f: {  	_ =	shalt  }
0x40: {  	_ =	shalt  }
0x41: {  	_ =	shalt  }
0x42: {  	_ =	shalt  }
0x43: {  	_ =	shalt  }
0x44: {  	_ =	shalt  }
0x45: {  	_ =	shalt  }
0x46: {  	_ =	shalt  }
0x47: {  	_ =	shalt  }
0x48: {  	_ =	shalt  }
0x49: {  	_ =	shalt  }
0x4a: {  	_ =	shalt  }
0x4b: {  	_ =	shalt  }
0x4c: {  	_ =	shalt  }
0x4d: {  	_ =	shalt  }
0x4e: {  	_ =	shalt  }
0x4f: {  	_ =	shalt  }
0x50: {  	_ =	shalt  }
0x51: {  	_ =	shalt  }
0x52: {  	_ =	shalt  }
0x53: {  	_ =	shalt  }
0x54: {  	_ =	shalt  }
0x55: {  	_ =	shalt  }
0x56: {  	_ =	shalt  }
0x57: {  	_ =	shalt  }
0x58: {  	_ =	shalt  }
0x59: {  	_ =	shalt  }
0x5a: {  	_ =	shalt  }
0x5b: {  	_ =	shalt  }
0x5c: {  	_ =	shalt  }
0x5d: {  	_ =	shalt  }
0x5e: {  	_ =	shalt  }
0x5f: {  	_ =	shalt  }
0x60: {  	_ =	shalt  }
0x61: {  	_ =	shalt  }
0x62: {  	_ =	shalt  }
0x63: {  	_ =	shalt  }
0x64: {  	_ =	shalt  }
0x65: {  	_ =	shalt  }
0x66: {  	_ =	shalt  }
0x67: {  	_ =	shalt  }
0x68: {  	_ =	shalt  }
0x69: {  	_ =	shalt  }
0x6a: {  	_ =	shalt  }
0x6b: {  	_ =	shalt  }
0x6c: {  	_ =	shalt  }
0x6d: {  	_ =	shalt  }
0x6e: {  	_ =	shalt  }
0x6f: {  	_ =	shalt  }
0x70: {  	_ =	shalt  }
0x71: {  	_ =	shalt  }
0x72: {  	_ =	shalt  }
0x73: {  	_ =	shalt  }
0x74: {  	_ =	shalt  }
0x75: {  	_ =	shalt  }
0x76: {  	_ =	shalt  }
0x77: {  	_ =	shalt  }
0x78: {  	_ =	shalt  }
0x79: {  	_ =	shalt  }
0x7a: {  	_ =	shalt  }
0x7b: {  	_ =	shalt  }
0x7c: {  	_ =	shalt  }
0x7d: {  	_ =	shalt  }
0x7e: {  	_ =	shalt  }
0x7f: {  	_ =	shalt  }
0x80: {  	_ =	shalt  }
0x81: {  	_ =	shalt  }
0x82: {  	_ =	shalt  }
0x83: {  	_ =	shalt  }
0x84: {  	_ =	shalt  }
0x85: {  	_ =	shalt  }
0x86: {  	_ =	shalt  }
0x87: {  	_ =	shalt  }
.Lfunc_end0:
.L_simem_size_0:
called_computation_lowered:
.L_overlay_start_0:
0x88: {  	s2 =	sld [smem:$0x3FD9]  }
0x89: {  	s3 =	sld [smem:$0x3FFE];
	_ =	sdelay $0x1  }
0x8a: {  	s1 =	srdreg.scid  }
0x8b: {  	s0 =	sand.u32 $0x1, s1  }
0x8c: {  	s17 =	sshll.u32 s0, $0xA;
	s2 =	sadd.s32 s3, s2  }
0x8d: {  	s2 =	sadd.s32 s2, s17  }
0x8e: {  	[smem:$0x3FC6] =	sst s2  }
0x8f: {  	_ = 	snop  }
0x90: {  	s2 =	sld [smem:$0x3FC8]  }
0x91: {  	s18 =	sld [smem:$0x3FD0];
	(tm) =	ssettm $0x1  }
0x92: {  	s4 =	sld [smem:$0x3FFB];
	_ =	sdelay $0x3  }
0x93: {  	_ =	strace s4  }
0x94: {  	s4 =	sld [smem:$0x3FFC];
	_ =	sdelay $0x3  }
0x95: {  	_ =	strace s4  }
0x96: {  	s4 =	sld [smem:$0x3FFD];
	_ =	sdelay $0x3  }
0x97: {  	_ =	strace s4  }
0x98: {  	_ =	strace $0x8FFFFFFF  }
0x99: {  	s19 =	sld [smem:$0x3FDB];
	_ =	sdelay $0x1  }
0x9a: {  	s5 =	simm.s32 $_scs_section_size  }
0x9b: {  	s6 =	simm.s32 $_size__tile_overlayer_lowered;
	s7 =	simm.s32 $_tile_overlayer_lowered  }
0x9c: {  	s22 =	simm.s32 $0x1BFF;
	s21 =	sshll.u32 s7, $0x1;
	s4 =	sadd.s32 s5, s19  }
0x9d: {  	s8 =	simm.s32 $0x0;
	s20 =	sshll.u32 s6, $0x1;
	s6 =	sadd.s32 s21, s4  }
0x9e: {  	[timem:s8], [sflag:s22] =	dma.local [hbm:s6], s20  }
0x9f: {  	_ =	swait.ge [sflag:s22], s20  }
0xa0: {  	s5 =	ssub.s32 $0x0, s20;
	[sflag:s22] =	ssyncset.done $0x0  }
0xa1: {  	[sflag:s22] =	ssyncadd.s32 s5;
	_ =	sdelay $0x1  }
0xa2: {  	s23 =	simm.s32 $0x1B8B  }
0xa3: {  	_ =	swait.ge [sflag:s23], $0x1  }
0xa4: {  	[sflag:s23] =	ssyncset.done $0x0  }
0xa5: {  	s25 =	simm.s32 $0x1B8E;
	s24 =	sld [smem:$0x3FFE];
	[sflag:s23] =	ssyncadd.s32 $0xFFFFFFFF  }
0xa6: {  	s26 =	simm.s32 $execute0_lowered;
	[smem:$0x3FD2] =	sst s25  }
0xa7: {  	s6 =	sshll.u32 s26, $0x1;
	_ =	strace $0x80000046;
	[dreg:$0x1] =	wrdreg $0xFFFFFFFF  }
0xa8: {  	s28 =	simm.s32 $_size_execute0_lowered;
	s4 =	sadd.s32 s4, s6;
	[dreg:$0x0] =	wrdreg $0x0  }
0xa9: {  	s6 =	sshll.u32 s28, $0x1;
	[dreg:$0x2] =	wrdreg s4  }
0xaa: {  	[dreg:$0x3] =	wrdreg s6  }
0xab: {  	[dreg:$0x4] =	wrdreg $0xC0  }
0xac: {  	_ =	task [dreg:s8], $0x5FFFF  }
0xad: {  	[dreg:$0x1] =	wrdreg $0xFFFFFFFF  }
0xae: {  	[dreg:$0x0] =	wrdreg $0x60  }
0xaf: {  	[dreg:$0x2] =	wrdreg s2  }
0xb0: {  	[dreg:$0x3] =	wrdreg s18  }
0xb1: {  	[dreg:$0x4] =	wrdreg s24  }
0xb2: {  	[dreg:$0x5] =	wrdreg $0x9  }
0xb3: {  	_ =	task.clear_ibuf [dreg:s8], $0x6FFFF;
	_ =	strace $0x90000046  }
0xb4: {  	s29 =	simm.s32 $0x9;
	_ =	strace $0x80000048  }
0xb5: {  	_ =	swait.ge [sflag:s29], $0x1  }
0xb6: {  	[sflag:s29] =	ssyncadd.s32 $0xFFFFFFFF  }
0xb7: {  	_ =	strace $0x90000048  }
0xb8: {  	_ =	sfence  }
0xb9: {  	s30 =	sld [smem:$0x0];
	_ =	sdelay $0x2  }
0xba: {  	s31 =	sshll.u32 s1, $0xD;
	s1 =	sshrl.u32 s1, $0x2  }
0xbb: {  	s3 =	sand.u32 $0x4000, s31;
	s1 =	sadd.s32 s1, s30  }
0xbc: {  	s0 =	sor.u32 s3, s0;
	s1 =	sshll.u32 s1, $0x11  }
0xbd: {  	s0 =	sor.u32 s1, s0  }
0xbe: {  	s0 =	sadd.s32 $0x8F2B, s0  }
0xbf: {  	[sflag:s0] =	ssyncadd.remote.s32 $0x1  }
0xc0: {  	_ =	sfence.sel $0xFFFF  }
0xc1: {  	[dreg:$0x0] =	wrdreg $0xFFFFFFFF;
	(pc) =	sbr.abs _section_cstart, $3  }
0xc2: {  	[dreg:$0x1] =	wrdreg $0xFFFFFFFF  }
0xc3: {  	_ =	task.clear_ibuf [dreg:s8], $0x2FFFF;
	_ =	strace $0x9FFFFFFF  }
0xc4: {  	(tm) =	ssettm $0x7FFFFFFF  }
0xc5: {  	_ =	shalt  }
tec
execute0_lowered:
.L_overlay_start_1:
0x0: {  	(tag) =	ssettag $0x1  }
0x1: {  	s1 =	srdreg.scid;
	s2 =	rddreg [dreg:$0x0]  }
0x2: {  	s0 =	stileid.u32;
	s3 =	rddreg [dreg:$0x1]  }
0x3: {  	s4 =	rddreg [dreg:$0x2];
	s6 =	simm.s32 $0x1;
	s1 =	sshll.u32 s1, $0x8  }
0x4: {  	s9 =	simm.s32 $0x1;
	s5 =	sshll.u32 s0, $0x9;
	s1 =	sand.u32 $0x100, s1  }
0x5: {  	s10 =	simm.s32 $0x3;
	s13 =	simm.s32 $0x0;
	s5 =	sor.u32 s5, s1  }
0x6: {  	s12 =	simm.s32 $0x0;
	s1 =	rddreg [dreg:$0x3];
	s8 =	ssub.s32 $0x4000, s5  }
.Ltmp0:
0x7: {  	_ =	strace $0x80000047;
	s7 =	sand.u32 $0x1F00, s8;
	(pc) =	sbr.rel .LBB2_1-.Ltmp0, $4  }
0x8: {  	[sflag:s6] =	ssyncpa.u1 $0x0;
	s11 =	smov.u32 s5;
	p0 =	sne.s32 s7, $0x0  }
0x9: {  	s8 =	sshrl.u32 s8, $0xD;
	s7 =	simm.s32 $0x2;
	s9 =	simm.s32 @!p0 $0x0  }
0xa: {  	[sflag:s7] =	ssyncpa.u1 $0x0;
	p0 =	por $0x0, $0x0;
	s8 =	sadd.s32 s9, s8  }
0xb: {  	vm0 =	vmmov $0xffff;
	[sflag:s10] =	ssyncpa.u1 $0x0;
	s10 =	simm.s32 $0x0;
	s9 =	sadd.s32 $0x1, s8  }
.LBB2_4:
0xc: {  	v2 =	vnsel vm1, $0x0, v2  }
0xd: {  	vm1 =	vgt.s32 v0, $0x0;
	v2 =	vmin.u32 v2, $0x3FFF  }
0xe: {  	v0 =	vnsel vm1, $0x0, v0  }
0xf: {  	v0 =	vmin.u32 v0, $0x3FFF  }
0x10: {  	[tilespmem:s15], [sflag:$0x1] =	stream.indirect_vreg.gather [hbm4b:s2+s10], $0x1, v1, vm0, $0x4038;
	[tilespmem:$0x400] =	vst v63  }
0x11: {  	(ifvalue) =	ssetifvalue $0x7FFFFFFF  }
0x12: {  	[tilespmem:s16], [sflag:$0x1] =	stream.indirect_vreg.gather [hbm4b:s2+s10], $0x1, v2, vm0, $0x4038;
	[tilespmem:$0x400] =	vst v63  }
0x13: {  	s29 =	sadd.s32 $0x10, s16;
	(ifvalue) =	ssetifvalue $0x7FFFFFFF  }
0x14: {  	[tilespmem:s29], [sflag:$0x1] =	stream.indirect_vreg.gather [hbm4b:s2+s10], $0x1, v0, vm0, $0x4038;
	[tilespmem:$0x400] =	vst v63  }
0x15: {  	_ =	swait.ge [sflag:s6], $0x100  }
0x16: {  	s30 =	sshrl.u32 s13, $0x3;
	[sflag:s6] =	ssyncset.done $0x0  }
0x17: {  	s31 =	sand.u32 $0x7, s13;
	s15 =	sadd.s32 s4, s30;
	[sflag:s6] =	ssyncadd.s32 $0xFFFFFF00  }
0x18: {  	[hbm4b:s15+s31] =	stream.linear.scatter [tilespmem:s14], [sflag:$0x3], $0x100, $0x38;
	[tilespmem:$0x400] =	vst v63  }
.LBB2_5:
0x19: {  	s15 =	sadd.s32 $0x2000, s11  }
0x1a: {  	p2 =	sgt.s32 s15, $0x3FFF  }
0x1b: {  	s15 =	smov.u32 @p2 s5;
	p2 =	sne.s32 s12, s9  }
.Ltmp1:
0x1c: {  	p1 =	slt.u32 s12, $0x2;
	(pc) =	sbr.rel @!p2 .LBB2_6-.Ltmp1, $4  }
0x1d: {  	s14 =	simm.s32 @!p1 $0x3  }
0x1e: {  	s16 =	sadd.s32 $0x1, s12;
	_ =	swait.ge @!p1 [sflag:s14], $0x100  }
0x1f: {  	s13 =	smov.u32 s11;
	p0 =	por !p0, !p0;
	[sflag:s14] =	ssyncset.done @!p1 $0x0  }
0x20: {  	s12 =	smov.u32 s16;
	s11 =	smov.u32 s15;
	[sflag:s14] =	ssyncadd.s32 @!p1 $0xFFFFFF00  }
.LBB2_1:
0x21: {  	p1 =	sge.u32 s12, s8  }
0x22: {  	s14 =	sxor.u32 @!p1 $0xFFFFFFFF, s12  }
0x23: {  	s31 =	sadd.s32 $0xFFFFFFFF, s12;
	s15 =	sshrl.u32 @!p1 s11, $0x3;
	s14 =	sshll.u32 @!p1 s14, $0x8  }
0x24: {  	s16 =	sand.u32 @!p1 $0x7, s11;
	s15 =	sadd.s32 @!p1 s3, s15;
	s14 =	sand.u32 @!p1 $0x100, s14  }
0x25: {  	[tilespmem:s14], [sflag:$0x2] =	stream.linear.gather @!p1 [hbm4b:s15+s16], $0x100, $0x38;
	[tilespmem:$0x400] =	vst v63  }
0x26: {  	p1 =	sge.u32 s31, s8  }
.Ltmp2:
0x27: {  	_ = 	snop;
	(pc) =	sbr.rel @p1 .LBB2_5-.Ltmp2, $1  }
0x28: {  	_ =	sdelay $0x3  }
0x29: {  	s14 =	simm.s32 $0x1  }
0x2a: {  	_ =	swait.ge [sflag:s7], $0x100;
	s14 =	simm.s32 @!p0 $0x0  }
0x2b: {  	[sflag:s7] =	ssyncset.done $0x0;
	s14 =	sshll.u32 s14, $0x8  }
0x2c: {  	[sflag:s7] =	ssyncadd.s32 $0xFFFFFF00;
	(ifvalue) =	ssetifvalue $0x7FFFFFFF;
	v0 =	vld.msk [tilespmem:s14+$0x0 ss:$0x1], $0xffff;
	_ =	sdelay $0x4  }
0x2d: {  	s15 =	sadd.s32 $0x10, s14;
	vm1 =	vgt.s32 v0, $0x0  }
0x2e: {  	v2 =	vld.msk [tilespmem:s15+$0x0 ss:$0x1], $0xffff;
	v1 =	vnsel vm1, $0x0, v0  }
0x2f: {  	v1 =	vmin.u32 v1, $0x3FFF;
	_ =	sdelay $0x1  }
0x30: {  	s16 =	sshll.u32 s12, $0x8;
	s18 =	simm.s32 $0x20  }
0x31: {  	s16 =	sand.u32 $0x100, s16;
	s17 =	sadd.s32 $0x10, s15;
	s15 =	sor.u32 $0x200, s14  }
0x32: {  	s14 =	sor.u32 $0x200, s16;
	s16 =	sadd.s32 $0x10, s15;
	v0 =	vld.msk [tilespmem:s17+$0x0 ss:$0x1], $0xffff;
	vm1 =	vgt.s32 v2, $0x0;
	(ifvalue) =	ssetifvalue $0x7FFFFFFF  }
.LBB2_3:
0x33: {  	[tilespmem:s15], [sflag:$0x1] =	stream.indirect_vreg.gather [hbm4b:s2+s10], $0x1, v1, vm0, $0x4038;
	[tilespmem:$0x400] =	vst v63  }
0x34: {  	s18 =	sadd.s32 $0x10, s18  }
0x35: {  	v2 =	vnsel vm1, $0x0, v2;
	p1 =	slt.u32 s18, $0xF0  }
.Ltmp3:
0x36: {  	s15 =	smov.u32 s16;
	v1 =	vmin.u32 v2, $0x3FFF;
	(pc) =	sbr.rel @p1 .LBB2_3-.Ltmp3, $3  }
0x37: {  	_ =	sdelay $0x1  }
0x38: {  	s17 =	sadd.s32 $0x10, s17  }
0x39: {  	vm1 =	vgt.s32 v0, $0x0;
	s16 =	sadd.s32 $0x10, s16;
	v2 =	vmov v0;
	(ifvalue) =	ssetifvalue $0x7FFFFFFF;
	v0 =	vld.msk [tilespmem:s17+$0x0 ss:$0x1], $0xffff  }
.Ltmp4:
0x3a: {  	_ = 	snop;
	(pc) =	sbr.rel .LBB2_4-.Ltmp4, $1  }
0x3b: {  	_ =	sdelay $0x3  }
.LBB2_6:
0x3c: {  	_ =	sfence.sel $0x180000  }
0x3d: {  	s2 =	simm.s32 $0x2;
	[bflag:$0x0] =	sbarrier.arrive $0xFFFF  }
0x3e: {  	s30 =	simm.s32 $0x3;
	[sflag:s2] =	ssyncpa.u1 $0x1  }
0x3f: {  	s31 =	simm.s32 $0x1;
	[sflag:s30] =	ssyncpa.u1 $0x1  }
0x40: {  	[sflag:s31] =	ssyncpa.u1 $0x1  }
0x41: {  	p0 =	sne.s32 s0, $0x0;
	_ =	strace $0x90000047  }
0x42: {  	s0 =	sadd.s32 @!p0 $0x100000, s1;
	[bflag:$0x2] =	sbarrier.arrive $0xFFFF  }
0x43: {  	[sflag:s0] =	ssyncadd.tile.s32 @!p0 $0x1;
	_ =	shalt  }
.Lfunc_end2:
_tile_overlayer_lowered:
.L_overlay_start_2:
0x44: {  	(tag) =	ssettag $0x2  }
0x45: {  	s0 =	rddreg [dreg:$0x0];
	s2 =	stileid.u32  }
0x46: {  	s1 =	rddreg [dreg:$0x1];
	p0 =	sne.s32 s2, $0x0  }
0x47: {  	s3 =	rddreg [dreg:$0x2];
	[bflag:$0x3] =	sbarrier.arrive $0xFFFF;
	s2 =	simm.s32 @!p0 $0x1C01  }
0x48: {  	[timem:s3], [sflag:s2] =	dma.local @!p0 [hbm:s0], s1  }
0x49: {  	s0 =	simm.s32 @!p0 $0x1  }
0x4a: {  	_ =	swait.ge @!p0 [sflag:s0], s1  }
0x4b: {  	s1 =	ssub.s32 @!p0 $0x0, s1;
	[sflag:s0] =	ssyncset.done @!p0 $0x0  }
0x4c: {  	[sflag:s0] =	ssyncadd.s32 @!p0 s1  }
0x4d: {  	[bflag:$0x3] =	sbarrier.arrive $0xFFFF  }
0x4e: {  	_ =	shalt  }

</sc_bundles>
